<compile_context>
chip_gen: v7x
topology: tpu7x:2x2x1
jax: 0.10.2.dev20260603
libtpu: 0.0.44.dev20260713+nightly
codegen_flags: <defaults>
</compile_context>

<pallas_src>
import functools

import jax
import jax.numpy as jnp
from jax import lax
from jax.experimental import pallas as pl
from jax.experimental.pallas import tpu as pltpu
from jax.experimental.pallas import tpu_sc as plsc

N_E = 8192
E_DIM = 256
B = 8
H = 1024
CODE_TILE = 512
NPROJ = N_E // CODE_TILE
NWIN = 4096 // CODE_TILE
HALF = 2048 // CODE_TILE
WIN = 2048
_PREC = lax.Precision.DEFAULT


def _fused_kernel(dom_ref, emb_ref, w_ref, b_ref, z_ref,
                  qc_out_ref, idx_ref, loss_ref,
                  qc_scr, minv_ref, mini_ref, zn_ref):
    t = pl.program_id(0)
    s = jnp.maximum(t - NPROJ, 0)
    b = s // NWIN
    j = s % NWIN
    dom = dom_ref[b]
    phase2 = t >= NPROJ

    @pl.when(t < NPROJ)
    def _():
        e = emb_ref[...]
        qc = lax.dot_general(e, w_ref[...], (((1,), (1,)), ((), ())),
                             preferred_element_type=jnp.float32,
                             precision=_PREC)
        qc = qc + b_ref[...]
        qc_out_ref[...] = qc
        qc_scr[pl.ds(t * CODE_TILE, CODE_TILE), :] = qc * (-2.0)

    @pl.when(t == NPROJ)
    def _():
        loss_ref[0, 0] = 0.0

    @pl.when(jnp.logical_and(phase2, j == 0))
    def _():
        zb = z_ref[0]
        zn_ref[...] = jnp.sum(zb * zb, axis=0, keepdims=True)

    active = jnp.logical_and(phase2, jnp.logical_or(dom == 2, j < HALF))

    @pl.when(active)
    def _():
        w_tile = dom * HALF + jnp.minimum(j, jnp.where(dom == 2, NWIN - 1, HALF - 1))
        qcm2 = qc_scr[pl.ds(w_tile * CODE_TILE, CODE_TILE), :]
        zb = z_ref[0]
        prodm2 = lax.dot_general(qcm2, zb, (((1,), (0,)), ((), ())),
                                 preferred_element_type=jnp.float32,
                                 precision=_PREC)
        cn = jnp.sum(qcm2 * qcm2, axis=1, keepdims=True) * 0.25
        dist = (zn_ref[...] + cn) + prodm2
        tmin = jnp.min(dist, axis=0, keepdims=True)
        targ = jnp.argmin(dist, axis=0).reshape(1, H)
        gidx = targ + (dom * WIN + j * CODE_TILE)

        @pl.when(j == 0)
        def _():
            minv_ref[...] = tmin
            mini_ref[...] = gidx

        @pl.when(j > 0)
        def _():
            better = tmin < minv_ref[...]
            minv_ref[...] = jnp.where(better, tmin, minv_ref[...])
            mini_ref[...] = jnp.where(better, gidx, mini_ref[...])

    jlast = jnp.where(dom == 2, NWIN - 1, HALF - 1)

    @pl.when(jnp.logical_and(phase2, j == jlast))
    def _():
        loss_ref[0, 0] += jnp.sum(minv_ref[...])

    @pl.when(jnp.logical_and(phase2, j == NWIN - 1))
    def _():
        idx_ref[0] = mini_ref[...]

    @pl.when(t == NPROJ + B * NWIN - 1)
    def _():
        loss_ref[0, 0] = loss_ref[0, 0] * (1.25 / (B * H * E_DIM))


def _project_and_argmin(z, embedding, proj_W, proj_b, audio_domain):
    grid_spec = pltpu.PrefetchScalarGridSpec(
        num_scalar_prefetch=1,
        grid=(NPROJ + B * NWIN,),
        in_specs=[
            pl.BlockSpec((CODE_TILE, E_DIM),
                         lambda t, dom: (jnp.minimum(t, NPROJ - 1), 0)),
            pl.BlockSpec((E_DIM, E_DIM), lambda t, dom: (0, 0)),
            pl.BlockSpec((1, E_DIM), lambda t, dom: (0, 0)),
            pl.BlockSpec((1, E_DIM, H),
                         lambda t, dom: (jnp.maximum(t - NPROJ, 0) // NWIN, 0, 0)),
        ],
        out_specs=[
            pl.BlockSpec((CODE_TILE, E_DIM),
                         lambda t, dom: (jnp.minimum(t, NPROJ - 1), 0)),
            pl.BlockSpec((1, 1, H),
                         lambda t, dom: (jnp.maximum(t - NPROJ, 0) // NWIN, 0, 0)),
            pl.BlockSpec(block_shape=(1, 1), index_map=lambda t, dom: (0, 0),
                         memory_space=pltpu.SMEM),
        ],
        scratch_shapes=[
            pltpu.VMEM((N_E, E_DIM), jnp.float32),
            pltpu.VMEM((1, H), jnp.float32),
            pltpu.VMEM((1, H), jnp.int32),
            pltpu.VMEM((1, H), jnp.float32),
        ],
    )
    return pl.pallas_call(
        _fused_kernel,
        grid_spec=grid_spec,
        out_shape=[
            jax.ShapeDtypeStruct((N_E, E_DIM), jnp.float32),
            jax.ShapeDtypeStruct((B, 1, H), jnp.int32),
            jax.ShapeDtypeStruct((1, 1), jnp.float32),
        ],
    )(audio_domain, embedding, proj_W, proj_b.reshape(1, E_DIM), z)


def _gather_rows(qc, idx):
    n = idx.shape[0]
    nw = 32
    per_w = n // nw
    chunk = 128
    mesh = plsc.VectorSubcoreMesh(core_axis_name="c", subcore_axis_name="s")

    @functools.partial(
        pl.kernel,
        mesh=mesh,
        out_type=jax.ShapeDtypeStruct((n, E_DIM), jnp.float32),
        scratch_types=[
            pltpu.VMEM((per_w,), jnp.int32),
            pltpu.VMEM((per_w, E_DIM), jnp.float32),
            pltpu.SemaphoreType.DMA,
        ],
    )
    def k(table_hbm, idx_hbm, out_hbm, idx_v, rows_v, sem):
        wid = lax.axis_index("s") * 2 + lax.axis_index("c")
        base = wid * per_w
        pltpu.sync_copy(idx_hbm.at[pl.ds(base, per_w)], idx_v)
        copies = []
        for c in range(per_w // chunk):
            copies.append(pltpu.async_copy(
                table_hbm.at[idx_v.at[pl.ds(c * chunk, chunk)]],
                rows_v.at[pl.ds(c * chunk, chunk), :],
                sem))
        for cp in copies:
            cp.wait()
        pltpu.sync_copy(rows_v, out_hbm.at[pl.ds(base, per_w)])

    return k(qc, idx)


def kernel(z, audio_domain, n_q, embedding, proj_W, proj_b):
    del n_q
    dom = audio_domain.astype(jnp.int32)
    qc, idx3, loss = _project_and_argmin(z, embedding, proj_W, proj_b, dom)
    idx_flat = idx3.reshape(-1)
    zq_rows = _gather_rows(qc, idx_flat)
    z_q = zq_rows.reshape(B, H, E_DIM).transpose(0, 2, 1)
    min_encoding_indices = idx3.reshape(1, B, H)
    return (z_q, min_encoding_indices, loss[0, 0])

# --- scband reference (transcript-rebuilt; emitter-appended) ---
"""Pipeline reference for scband-sim-vq1-d-24541443129907 (READ-ONLY COPY).

The authoritative reference and input builder live on the scoring server;
editing this copy changes nothing except your own understanding.
"""

import jax, jax.numpy as jnp
import numpy as np

N_E = 8192
E_DIM = 256
BETA = 0.25
B, C, H = 8, 256, 1024


def setup_inputs(seed: int = 0) -> dict:
    key = jax.random.key(seed)
    k1, k2, k3, k4, k5 = jax.random.split(key, 5)
    z = jax.random.normal(k1, (B, C, H), dtype=jnp.float32)
    audio_domain = jax.random.randint(k2, (B,), 0, 3, dtype=jnp.int64) if jax.config.jax_enable_x64 else jax.random.randint(k2, (B,), 0, 3, dtype=jnp.int32)
    embedding = jax.random.normal(k3, (N_E, E_DIM), dtype=jnp.float32) * (E_DIM ** -0.5)
    bound = 1.0 / np.sqrt(E_DIM)
    proj_W = jax.random.uniform(k4, (E_DIM, E_DIM), dtype=jnp.float32, minval=-bound, maxval=bound)
    proj_b = jax.random.uniform(k5, (E_DIM,), dtype=jnp.float32, minval=-bound, maxval=bound)
    return {"z": z, "audio_domain": audio_domain, "n_q": 8, "embedding": embedding, "proj_W": proj_W, "proj_b": proj_b}


def reference(z, audio_domain, n_q, embedding, proj_W, proj_b):
    # z: (b, c, h) -> (b, h, c)
    zt = jnp.transpose(z, (0, 2, 1))
    b, h, c = zt.shape
    z_flat = zt.reshape(-1, E_DIM)
    # quant_codebook = embedding_proj(embedding.weight)
    quant_codebook = z_flat.dtype.type(0)  # placeholder removed below
    quant_codebook = embedding @ proj_W.T + proj_b  # (n_e, e_dim)
    d = (jnp.sum(z_flat ** 2, axis=1, keepdims=True)
         + jnp.sum(quant_codebook ** 2, axis=1)
         - 2.0 * (z_flat @ quant_codebook.T))  # (b*h, n_e)
    d = d.reshape(b, h, N_E)
    code_size = N_E // 4
    idxr = jnp.arange(N_E)
    mask0 = idxr >= code_size
    mask1 = (idxr < code_size) | (idxr >= 2 * code_size)
    mask2 = idxr < 2 * code_size
    dom = audio_domain[:, None, None]
    mask = jnp.where(dom == 0, mask0[None, None, :],
            jnp.where(dom == 1, mask1[None, None, :],
             jnp.where(dom == 2, mask2[None, None, :], jnp.zeros_like(mask0[None, None, :]))))
    d = jnp.where(mask, jnp.float32(jnp.inf), d)
    min_encoding_indices = jnp.argmin(d, axis=2)  # (b, h)
    z_q = jnp.take(quant_codebook, min_encoding_indices.reshape(-1), axis=0).reshape(zt.shape)
    commit_loss = (jnp.mean((jax.lax.stop_gradient(z_q) - zt) ** 2)
                   + BETA * jnp.mean((z_q - jax.lax.stop_gradient(zt)) ** 2))
    z_q = zt + jax.lax.stop_gradient(z_q - zt)
    z_q = jnp.transpose(z_q, (0, 2, 1))  # (b, c, h)
    min_encoding_indices = min_encoding_indices.reshape(1, z_q.shape[0], z_q.shape[2])
    return (z_q, min_encoding_indices, commit_loss)

if __name__ == "__main__":
    import jax
    _d = setup_inputs()
    print(jax.jit(kernel)(*tuple(_d.values())))

</pallas_src>

<mosaic_0001>
#map = affine_map<(d0, d1) -> (0, 0)>
#map1 = affine_map<(d0, d1) -> (0)>
module attributes {stable_mosaic.version = 14 : i64} {
  func.func @k(%arg0: i32, %arg1: i32, %arg2: memref<8192x256xf32, #tpu.memory_space<hbm>>, %arg3: memref<8192xi32, #tpu.memory_space<hbm>>, %arg4: memref<8192x256xf32, #tpu.memory_space<hbm>>, %arg5: memref<256xi32, #tpu.memory_space<vmem>>, %arg6: memref<256x256xf32, #tpu.memory_space<vmem>>, %arg7: memref<!tpu.dma_semaphore, #tpu.memory_space<semaphore_mem>>) attributes {dimension_semantics = [#tpu.dimension_semantics<core_parallel>, #tpu.dimension_semantics<subcore_parallel>], iteration_bounds = array<i64: 2, 16>, scalar_prefetch = 0 : i64, scratch_operands = 3 : i64, tpu.core_type = #tpu.core_type<sc_vector_subcore>, window_params = [{transform_indices = #map}, {transform_indices = #map1}, {transform_indices = #map}]} {
    %mul3A = arith.constant 2 : i32
    %mul3A_0 = arith.muli %arg1, %mul3A : i32
    %add3A = arith.addi %mul3A_0, %arg0 : i32
    %mul3A_1 = arith.constant 256 : i32
    %mul3A_2 = arith.muli %add3A, %mul3A_1 : i32
    "tpu.region"() ({
      %run_scoped3A = tpu.sem_alloc : memref<!tpu.dma_semaphore, #tpu.memory_space<semaphore_mem>>
      %dma_start3A_33 = tpu.memref_slice %arg3[%mul3A_2] : memref<8192xi32, #tpu.memory_space<hbm>> -> memref<256xi32, #tpu.memory_space<hbm>>
      %dma_start3A_34 = tpu.memref_slice %arg3[%mul3A_2] : memref<8192xi32, #tpu.memory_space<hbm>> -> memref<256xi32, #tpu.memory_space<hbm>>
      tpu.enqueue_dma source(%dma_start3A_34 : memref<256xi32, #tpu.memory_space<hbm>>) target(%arg5 : memref<256xi32, #tpu.memory_space<vmem>>) target_semaphore(%run_scoped3A : memref<!tpu.dma_semaphore, #tpu.memory_space<semaphore_mem>>)
      %dma_wait3A_35 = tpu.memref_slice %arg3[%mul3A_2] : memref<8192xi32, #tpu.memory_space<hbm>> -> memref<256xi32, #tpu.memory_space<hbm>>
      %dma_wait3A_36 = tpu.memref_slice %arg3[%mul3A_2] : memref<8192xi32, #tpu.memory_space<hbm>> -> memref<256xi32, #tpu.memory_space<hbm>>
      tpu.wait_dma2 semaphore(%run_scoped3A : memref<!tpu.dma_semaphore, #tpu.memory_space<semaphore_mem>>) src(%dma_wait3A_36 : memref<256xi32, #tpu.memory_space<hbm>>) dst(%arg5 : memref<256xi32, #tpu.memory_space<vmem>>)
      tpu.yield
    }) : () -> ()
    %dma_start3A = arith.constant 0 : i32
    %dma_start3A_3 = arith.constant 0 : i32
    %dma_start3A_4 = tpu.memref_slice %arg6[%dma_start3A, %dma_start3A_3] : memref<256x256xf32, #tpu.memory_space<vmem>> -> memref<128x256xf32, #tpu.memory_space<vmem>>
    %dma_start3A_5 = arith.constant 0 : i32
    %dma_start3A_6 = tpu.memref_slice %arg5[%dma_start3A_5] : memref<256xi32, #tpu.memory_space<vmem>> -> memref<128xi32, #tpu.memory_space<vmem>>
    %dma_start3A_7 = arith.constant 0 : i32
    %dma_start3A_8 = arith.constant 0 : i32
    %dma_start3A_9 = tpu.memref_slice %arg2[%dma_start3A_7, %dma_start3A_8] : memref<8192x256xf32, #tpu.memory_space<hbm>> -> memref<8192x256xf32, #tpu.memory_space<hbm>>
    tpu.enqueue_indirect_dma source(%dma_start3A_9 : memref<8192x256xf32, #tpu.memory_space<hbm>>) target(%dma_start3A_4 : memref<128x256xf32, #tpu.memory_space<vmem>>) offsets(%dma_start3A_6 : memref<128xi32, #tpu.memory_space<vmem>>) semaphore(%arg7 : memref<!tpu.dma_semaphore, #tpu.memory_space<semaphore_mem>>)
    %dma_start3A_10 = arith.constant 128 : i32
    %dma_start3A_11 = arith.constant 0 : i32
    %dma_start3A_12 = tpu.memref_slice %arg6[%dma_start3A_10, %dma_start3A_11] : memref<256x256xf32, #tpu.memory_space<vmem>> -> memref<128x256xf32, #tpu.memory_space<vmem>>
    %dma_start3A_13 = arith.constant 128 : i32
    %dma_start3A_14 = tpu.memref_slice %arg5[%dma_start3A_13] : memref<256xi32, #tpu.memory_space<vmem>> -> memref<128xi32, #tpu.memory_space<vmem>>
    %dma_start3A_15 = arith.constant 0 : i32
    %dma_start3A_16 = arith.constant 0 : i32
    %dma_start3A_17 = tpu.memref_slice %arg2[%dma_start3A_15, %dma_start3A_16] : memref<8192x256xf32, #tpu.memory_space<hbm>> -> memref<8192x256xf32, #tpu.memory_space<hbm>>
    tpu.enqueue_indirect_dma source(%dma_start3A_17 : memref<8192x256xf32, #tpu.memory_space<hbm>>) target(%dma_start3A_12 : memref<128x256xf32, #tpu.memory_space<vmem>>) offsets(%dma_start3A_14 : memref<128xi32, #tpu.memory_space<vmem>>) semaphore(%arg7 : memref<!tpu.dma_semaphore, #tpu.memory_space<semaphore_mem>>)
    %dma_wait3A = arith.constant 0 : i32
    %dma_wait3A_18 = arith.constant 0 : i32
    %dma_wait3A_19 = tpu.memref_slice %arg6[%dma_wait3A, %dma_wait3A_18] : memref<256x256xf32, #tpu.memory_space<vmem>> -> memref<128x256xf32, #tpu.memory_space<vmem>>
    %dma_wait3A_20 = arith.constant 0 : i32
    %dma_wait3A_21 = tpu.memref_slice %arg5[%dma_wait3A_20] : memref<256xi32, #tpu.memory_space<vmem>> -> memref<128xi32, #tpu.memory_space<vmem>>
    %dma_wait3A_22 = arith.constant 0 : i32
    %dma_wait3A_23 = arith.constant 0 : i32
    %dma_wait3A_24 = tpu.memref_slice %arg2[%dma_wait3A_22, %dma_wait3A_23] : memref<8192x256xf32, #tpu.memory_space<hbm>> -> memref<8192x256xf32, #tpu.memory_space<hbm>>
    tpu.wait_indirect_dma semaphore(%arg7 : memref<!tpu.dma_semaphore, #tpu.memory_space<semaphore_mem>>) src(%dma_wait3A_24 : memref<8192x256xf32, #tpu.memory_space<hbm>>) dst(%dma_wait3A_19 : memref<128x256xf32, #tpu.memory_space<vmem>>)
    %dma_wait3A_25 = arith.constant 128 : i32
    %dma_wait3A_26 = arith.constant 0 : i32
    %dma_wait3A_27 = tpu.memref_slice %arg6[%dma_wait3A_25, %dma_wait3A_26] : memref<256x256xf32, #tpu.memory_space<vmem>> -> memref<128x256xf32, #tpu.memory_space<vmem>>
    %dma_wait3A_28 = arith.constant 128 : i32
    %dma_wait3A_29 = tpu.memref_slice %arg5[%dma_wait3A_28] : memref<256xi32, #tpu.memory_space<vmem>> -> memref<128xi32, #tpu.memory_space<vmem>>
    %dma_wait3A_30 = arith.constant 0 : i32
    %dma_wait3A_31 = arith.constant 0 : i32
    %dma_wait3A_32 = tpu.memref_slice %arg2[%dma_wait3A_30, %dma_wait3A_31] : memref<8192x256xf32, #tpu.memory_space<hbm>> -> memref<8192x256xf32, #tpu.memory_space<hbm>>
    tpu.wait_indirect_dma semaphore(%arg7 : memref<!tpu.dma_semaphore, #tpu.memory_space<semaphore_mem>>) src(%dma_wait3A_32 : memref<8192x256xf32, #tpu.memory_space<hbm>>) dst(%dma_wait3A_27 : memref<128x256xf32, #tpu.memory_space<vmem>>)
    "tpu.region"() ({
      %run_scoped3A = tpu.sem_alloc : memref<!tpu.dma_semaphore, #tpu.memory_space<semaphore_mem>>
      %dma_start3A_33 = arith.constant 0 : i32
      %dma_start3A_34 = tpu.memref_slice %arg4[%mul3A_2, %dma_start3A_33] : memref<8192x256xf32, #tpu.memory_space<hbm>> -> memref<256x256xf32, #tpu.memory_space<hbm>>
      %dma_start3A_35 = arith.constant 0 : i32
      %dma_start3A_36 = tpu.memref_slice %arg4[%mul3A_2, %dma_start3A_35] : memref<8192x256xf32, #tpu.memory_space<hbm>> -> memref<256x256xf32, #tpu.memory_space<hbm>>
      tpu.enqueue_dma source(%arg6 : memref<256x256xf32, #tpu.memory_space<vmem>>) target(%dma_start3A_36 : memref<256x256xf32, #tpu.memory_space<hbm>>) target_semaphore(%run_scoped3A : memref<!tpu.dma_semaphore, #tpu.memory_space<semaphore_mem>>)
      %dma_wait3A_37 = arith.constant 0 : i32
      %dma_wait3A_38 = tpu.memref_slice %arg4[%mul3A_2, %dma_wait3A_37] : memref<8192x256xf32, #tpu.memory_space<hbm>> -> memref<256x256xf32, #tpu.memory_space<hbm>>
      %dma_wait3A_39 = arith.constant 0 : i32
      %dma_wait3A_40 = tpu.memref_slice %arg4[%mul3A_2, %dma_wait3A_39] : memref<8192x256xf32, #tpu.memory_space<hbm>> -> memref<256x256xf32, #tpu.memory_space<hbm>>
      tpu.wait_dma2 semaphore(%run_scoped3A : memref<!tpu.dma_semaphore, #tpu.memory_space<semaphore_mem>>) src(%arg6 : memref<256x256xf32, #tpu.memory_space<vmem>>) dst(%dma_wait3A_40 : memref<256x256xf32, #tpu.memory_space<hbm>>)
      tpu.yield
    }) : () -> ()
    return
  }
}

module attributes {stable_mosaic.version = 14 : i64} {
  func.func @_fused_kernel(%arg0: i32, %arg1: memref<8xi32, #tpu.memory_space<smem>>, %arg2: memref<512x256xf32, #tpu.memory_space<vmem>>, %arg3: memref<256x256xf32, #tpu.memory_space<vmem>>, %arg4: memref<1x256xf32, #tpu.memory_space<vmem>>, %arg5: memref<1x256x1024xf32, #tpu.memory_space<vmem>>, %arg6: memref<512x256xf32, #tpu.memory_space<vmem>>, %arg7: memref<1x1x1024xi32, #tpu.memory_space<vmem>>, %arg8: memref<1x1xf32, #tpu.memory_space<smem>>, %arg9: memref<8192x256xf32, #tpu.memory_space<vmem>>, %arg10: memref<1x1024xf32, #tpu.memory_space<vmem>>, %arg11: memref<1x1024xi32, #tpu.memory_space<vmem>>, %arg12: memref<1x1024xf32, #tpu.memory_space<vmem>>) attributes {dimension_semantics = [#tpu.dimension_semantics<arbitrary>], iteration_bounds = array<i64: 80>, scalar_prefetch = 1 : i64, scratch_operands = 4 : i64, tpu.core_type = #tpu.core_type<tc>, window_params = [{transform_indices = @transform_0, window_bounds = array<i64: 512, 256>}, {pipeline_mode = #tpu.pipeline_mode<synchronous>, transform_indices = @transform_1, window_bounds = array<i64: 256, 256>}, {pipeline_mode = #tpu.pipeline_mode<synchronous>, transform_indices = @transform_2, window_bounds = array<i64: 1, 256>}, {transform_indices = @transform_3, window_bounds = array<i64: 1, 256, 1024>}, {transform_indices = @transform_4, window_bounds = array<i64: 512, 256>}, {transform_indices = @transform_5, window_bounds = array<i64: 1, 1, 1024>}, {transform_indices = @transform_6, window_bounds = array<i64: 1, 1>}]} {
    %sub3A = arith.constant 16 : i32
    %sub3A_0 = arith.subi %arg0, %sub3A : i32
    %max3A = arith.constant 0 : i32
    %max3A_1 = arith.maxsi %sub3A_0, %max3A : i32
    %jit3A = arith.constant 8 : i32
    %div3A = arith.divsi %max3A_1, %jit3A : i32
    %sign3A = arith.constant 0 : i32
    %sign3A_2 = arith.cmpi sgt, %max3A_1, %sign3A : i32
    %sign3A_3 = arith.extui %sign3A_2 : i1 to i32
    %sign3A_4 = arith.constant 0 : i32
    %sign3A_5 = arith.cmpi slt, %max3A_1, %sign3A_4 : i32
    %sign3A_6 = arith.extui %sign3A_5 : i1 to i32
    %sign3A_7 = arith.subi %sign3A_3, %sign3A_6 : i32
    %sign3A_8 = arith.constant 0 : i32
    %sign3A_9 = arith.cmpi sgt, %jit3A, %sign3A_8 : i32
    %sign3A_10 = arith.extui %sign3A_9 : i1 to i32
    %sign3A_11 = arith.constant 0 : i32
    %sign3A_12 = arith.cmpi slt, %jit3A, %sign3A_11 : i32
    %sign3A_13 = arith.extui %sign3A_12 : i1 to i32
    %sign3A_14 = arith.subi %sign3A_10, %sign3A_13 : i32
    %ne3A = arith.cmpi ne, %sign3A_7, %sign3A_14 : i32
    %rem3A = arith.remsi %max3A_1, %jit3A : i32
    %ne3A_15 = arith.constant 0 : i32
    %ne3A_16 = arith.cmpi ne, %rem3A, %ne3A_15 : i32
    %and3A = arith.andi %ne3A, %ne3A_16 : i1
    %sub3A_17 = arith.constant 1 : i32
    %sub3A_18 = arith.subi %div3A, %sub3A_17 : i32
    %select_n3A = arith.select %and3A, %sub3A_18, %div3A : i32
    %jit3A_19 = arith.constant 8 : i32
    %eq3A = arith.constant 0 : i32
    %eq3A_20 = arith.cmpi eq, %jit3A_19, %eq3A : i32
    %jit3A_21 = arith.constant 1 : i32
    %select_n3A_22 = arith.select %eq3A_20, %jit3A_21, %jit3A_19 : i32
    %rem3A_23 = arith.remsi %max3A_1, %select_n3A_22 : i32
    %ne3A_24 = arith.constant 0 : i32
    %ne3A_25 = arith.cmpi ne, %rem3A_23, %ne3A_24 : i32
    %lt3A = arith.constant 0 : i32
    %lt3A_26 = arith.cmpi slt, %rem3A_23, %lt3A : i32
    %lt3A_27 = arith.constant 0 : i32
    %lt3A_28 = arith.cmpi slt, %select_n3A_22, %lt3A_27 : i32
    %ne3A_29 = arith.xori %lt3A_26, %lt3A_28 : i1
    %and3A_30 = arith.andi %ne3A_29, %ne3A_25 : i1
    %add3A = arith.addi %rem3A_23, %select_n3A_22 : i32
    %select_n3A_31 = arith.select %and3A_30, %add3A, %rem3A_23 : i32
    %get3A = arith.index_cast %select_n3A : i32 to index
    %get3A_32 = memref.load %arg1[%get3A] : memref<8xi32, #tpu.memory_space<smem>>
    %ge3A = arith.constant 16 : i32
    %ge3A_33 = arith.cmpi sge, %arg0, %ge3A : i32
    %lt3A_34 = arith.constant 16 : i32
    %lt3A_35 = arith.cmpi slt, %arg0, %lt3A_34 : i32
    %convert_element_type3A = arith.extui %lt3A_35 : i1 to i32
    %cond3A = arith.constant 0 : i32
    %cond3A_36 = arith.cmpi ne, %convert_element_type3A, %cond3A : i32
    scf.if %cond3A_36 {
      %get3A_77 = arith.constant 0 : index
      %get3A_78 = arith.constant 0 : index
      %get3A_79 = vector.load %arg2[%get3A_77, %get3A_78] : memref<512x256xf32, #tpu.memory_space<vmem>>, vector<512x256xf32>
      %get3A_80 = arith.constant 0 : index
      %get3A_81 = arith.constant 0 : index
      %get3A_82 = vector.load %arg3[%get3A_80, %get3A_81] : memref<256x256xf32, #tpu.memory_space<vmem>>, vector<256x256xf32>
      %dot_general3A = arith.constant dense<0.000000e+00> : vector<512x256xf32>
      %dot_general3A_83 = tpu.matmul %get3A_79, %get3A_82, %dot_general3A {dimension_numbers = #tpu.dot_dimension_numbers<[1], [1], [0], [0], [0, 0, 1, 0], [], []>, transpose_lhs_hint = false} : vector<512x256xf32>, vector<256x256xf32>, vector<512x256xf32> -> vector<512x256xf32>
      %get3A_84 = arith.constant 0 : index
      %get3A_85 = arith.constant 0 : index
      %get3A_86 = vector.load %arg4[%get3A_84, %get3A_85] : memref<1x256xf32, #tpu.memory_space<vmem>>, vector<1x256xf32>
      %add3A_87 = vector.broadcast %get3A_86 : vector<1x256xf32> to vector<512x256xf32>
      %add3A_88 = arith.addf %dot_general3A_83, %add3A_87 : vector<512x256xf32>
      %swap3A = arith.constant 0 : index
      %swap3A_89 = arith.constant 0 : index
      %swap3A_90 = vector.load %arg6[%swap3A, %swap3A_89] : memref<512x256xf32, #tpu.memory_space<vmem>>, vector<512x256xf32>
      tpu.vector_store %arg6[%swap3A, %swap3A_89], %add3A_88 {strides = array<i32>} : memref<512x256xf32, #tpu.memory_space<vmem>>, vector<512x256xf32>,
      %mul3A = arith.constant -2.000000e+00 : f32
      %mul3A_91 = vector.broadcast %mul3A : f32 to vector<512x256xf32>
      %mul3A_92 = arith.mulf %add3A_88, %mul3A_91 : vector<512x256xf32>
      %mul3A_93 = arith.constant 512 : i32
      %mul3A_94 = arith.muli %arg0, %mul3A_93 : i32
      %swap3A_95 = arith.index_cast %mul3A_94 : i32 to index
      %swap3A_96 = arith.constant 0 : index
      %swap3A_97 = vector.load %arg9[%swap3A_95, %swap3A_96] : memref<8192x256xf32, #tpu.memory_space<vmem>>, vector<512x256xf32>
      tpu.vector_store %arg9[%swap3A_95, %swap3A_96], %mul3A_92 {strides = array<i32>} : memref<8192x256xf32, #tpu.memory_space<vmem>>, vector<512x256xf32>,
    } else {
    }
    %eq3A_37 = arith.constant 16 : i32
    %eq3A_38 = arith.cmpi eq, %arg0, %eq3A_37 : i32
    %convert_element_type3A_39 = arith.extui %eq3A_38 : i1 to i32
    %cond3A_40 = arith.constant 0 : i32
    %cond3A_41 = arith.cmpi ne, %convert_element_type3A_39, %cond3A_40 : i32
    scf.if %cond3A_41 {
      %swap3A = arith.constant 0.000000e+00 : f32
      %swap3A_77 = arith.constant 0 : index
      %swap3A_78 = arith.constant 0 : index
      %swap3A_79 = memref.load %arg8[%swap3A_77, %swap3A_78] : memref<1x1xf32, #tpu.memory_space<smem>>
      memref.store %swap3A, %arg8[%swap3A_77, %swap3A_78] : memref<1x1xf32, #tpu.memory_space<smem>>
    } else {
    }
    %eq3A_42 = arith.constant 0 : i32
    %eq3A_43 = arith.cmpi eq, %select_n3A_31, %eq3A_42 : i32
    %and3A_44 = arith.andi %ge3A_33, %eq3A_43 : i1
    %convert_element_type3A_45 = arith.extui %and3A_44 : i1 to i32
    %cond3A_46 = arith.constant 0 : i32
    %cond3A_47 = arith.cmpi ne, %convert_element_type3A_45, %cond3A_46 : i32
    scf.if %cond3A_47 {
      %get3A_77 = arith.constant 0 : index
      %get3A_78 = arith.constant 0 : index
      %get3A_79 = arith.constant 0 : index
      %get3A_80 = vector.load %arg5[%get3A_77, %get3A_78, %get3A_79] : memref<1x256x1024xf32, #tpu.memory_space<vmem>>, vector<1x256x1024xf32>
      %get3A_81 = vector.shape_cast %get3A_80 : vector<1x256x1024xf32> to vector<256x1024xf32>
      %mul3A = arith.mulf %get3A_81, %get3A_81 : vector<256x1024xf32>
      %reduce_sum3A = arith.constant dense<0.000000e+00> : vector<1024xf32>
      %reduce_sum3A_82 = vector.multi_reduction <add>, %mul3A, %reduce_sum3A [0] : vector<256x1024xf32> to vector<1024xf32>
      %broadcast_in_dim3A = vector.shape_cast %reduce_sum3A_82 : vector<1024xf32> to vector<1x1024xf32>
      %swap3A = arith.constant 0 : index
      %swap3A_83 = arith.constant 0 : index
      %swap3A_84 = vector.load %arg12[%swap3A, %swap3A_83] : memref<1x1024xf32, #tpu.memory_space<vmem>>, vector<1x1024xf32>
      tpu.vector_store %arg12[%swap3A, %swap3A_83], %broadcast_in_dim3A {strides = array<i32>} : memref<1x1024xf32, #tpu.memory_space<vmem>>, vector<1x1024xf32>,
    } else {
    }
    %eq3A_48 = arith.constant 2 : i32
    %eq3A_49 = arith.cmpi eq, %get3A_32, %eq3A_48 : i32
    %lt3A_50 = arith.constant 4 : i32
    %lt3A_51 = arith.cmpi slt, %select_n3A_31, %lt3A_50 : i32
    %or3A = arith.ori %eq3A_49, %lt3A_51 : i1
    %and3A_52 = arith.andi %ge3A_33, %or3A : i1
    %convert_element_type3A_53 = arith.extui %and3A_52 : i1 to i32
    %cond3A_54 = arith.constant 0 : i32
    %cond3A_55 = arith.cmpi ne, %convert_element_type3A_53, %cond3A_54 : i32
    scf.if %cond3A_55 {
      %mul3A = arith.constant 4 : i32
      %mul3A_77 = arith.muli %get3A_32, %mul3A : i32
      %eq3A_78 = arith.constant 2 : i32
      %eq3A_79 = arith.cmpi eq, %get3A_32, %eq3A_78 : i32
      %jit3A_80 = arith.constant 7 : i32
      %jit3A_81 = arith.constant 3 : i32
      %select_n3A_82 = arith.select %eq3A_79, %jit3A_80, %jit3A_81 : i32
      %min3A = arith.minsi %select_n3A_31, %select_n3A_82 : i32
      %add3A_83 = arith.addi %mul3A_77, %min3A : i32
      %mul3A_84 = arith.constant 512 : i32
      %mul3A_85 = arith.muli %add3A_83, %mul3A_84 : i32
      %get3A_86 = arith.index_cast %mul3A_85 : i32 to index
      %get3A_87 = arith.constant 0 : index
      %get3A_88 = vector.load %arg9[%get3A_86, %get3A_87] : memref<8192x256xf32, #tpu.memory_space<vmem>>, vector<512x256xf32>
      %get3A_89 = arith.constant 0 : index
      %get3A_90 = arith.constant 0 : index
      %get3A_91 = arith.constant 0 : index
      %get3A_92 = vector.load %arg5[%get3A_89, %get3A_90, %get3A_91] : memref<1x256x1024xf32, #tpu.memory_space<vmem>>, vector<1x256x1024xf32>
      %get3A_93 = vector.shape_cast %get3A_92 : vector<1x256x1024xf32> to vector<256x1024xf32>
      %dot_general3A = arith.constant dense<0.000000e+00> : vector<512x1024xf32>
      %dot_general3A_94 = tpu.matmul %get3A_88, %get3A_93, %dot_general3A {dimension_numbers = #tpu.dot_dimension_numbers<[1], [0], [0], [1], [0, 0, 1, 1], [], []>, transpose_lhs_hint = false} : vector<512x256xf32>, vector<256x1024xf32>, vector<512x1024xf32> -> vector<512x1024xf32>
      %mul3A_95 = arith.mulf %get3A_88, %get3A_88 : vector<512x256xf32>
      %reduce_sum3A = arith.constant dense<0.000000e+00> : vector<512xf32>
      %reduce_sum3A_96 = vector.multi_reduction <add>, %mul3A_95, %reduce_sum3A [1] : vector<512x256xf32> to vector<512xf32>
      %broadcast_in_dim3A = vector.shape_cast %reduce_sum3A_96 : vector<512xf32> to vector<512x1xf32>
      %mul3A_97 = arith.constant 2.500000e-01 : f32
      %mul3A_98 = vector.broadcast %mul3A_97 : f32 to vector<512x1xf32>
      %mul3A_99 = arith.mulf %broadcast_in_dim3A, %mul3A_98 : vector<512x1xf32>
      %get3A_100 = arith.constant 0 : index
      %get3A_101 = arith.constant 0 : index
      %get3A_102 = vector.load %arg12[%get3A_100, %get3A_101] : memref<1x1024xf32, #tpu.memory_space<vmem>>, vector<1x1024xf32>
      %add3A_103 = vector.broadcast %get3A_102 : vector<1x1024xf32> to vector<512x1024xf32>
      %add3A_104 = vector.broadcast %mul3A_99 : vector<512x1xf32> to vector<512x1024xf32>
      %add3A_105 = arith.addf %add3A_103, %add3A_104 : vector<512x1024xf32>
      %add3A_106 = arith.addf %add3A_105, %dot_general3A_94 : vector<512x1024xf32>
      %reduce_min3A = arith.constant dense<0x7F800000> : vector<1024xf32>
      %reduce_min3A_107 = vector.multi_reduction <minimumf>, %add3A_106, %reduce_min3A [0] : vector<512x1024xf32> to vector<1024xf32>
      %broadcast_in_dim3A_108 = vector.shape_cast %reduce_min3A_107 : vector<1024xf32> to vector<1x1024xf32>
      %argmin3A = tpu.reduce_index %add3A_106 {axis = 0 : i32, kind = #tpu.reduction_kind<arg_min>} : vector<512x1024xf32> -> vector<1024xi32>
      %reshape3A = vector.shape_cast %argmin3A : vector<1024xi32> to vector<1x1024xi32>
      %mul3A_109 = arith.constant 2048 : i32
      %mul3A_110 = arith.muli %get3A_32, %mul3A_109 : i32
      %mul3A_111 = arith.constant 512 : i32
      %mul3A_112 = arith.muli %select_n3A_31, %mul3A_111 : i32
      %add3A_113 = arith.addi %mul3A_110, %mul3A_112 : i32
      %add3A_114 = vector.broadcast %add3A_113 : i32 to vector<1x1024xi32>
      %add3A_115 = arith.addi %reshape3A, %add3A_114 : vector<1x1024xi32>
      %eq3A_116 = arith.constant 0 : i32
      %eq3A_117 = arith.cmpi eq, %select_n3A_31, %eq3A_116 : i32
      %convert_element_type3A_118 = arith.extui %eq3A_117 : i1 to i32
      %cond3A_119 = arith.constant 0 : i32
      %cond3A_120 = arith.cmpi ne, %convert_element_type3A_118, %cond3A_119 : i32
      scf.if %cond3A_120 {
        %swap3A = arith.constant 0 : index
        %swap3A_125 = arith.constant 0 : index
        %swap3A_126 = vector.load %arg10[%swap3A, %swap3A_125] : memref<1x1024xf32, #tpu.memory_space<vmem>>, vector<1x1024xf32>
        tpu.vector_store %arg10[%swap3A, %swap3A_125], %broadcast_in_dim3A_108 {strides = array<i32>} : memref<1x1024xf32, #tpu.memory_space<vmem>>, vector<1x1024xf32>,
        %swap3A_127 = arith.constant 0 : index
        %swap3A_128 = arith.constant 0 : index
        %swap3A_129 = vector.load %arg11[%swap3A_127, %swap3A_128] : memref<1x1024xi32, #tpu.memory_space<vmem>>, vector<1x1024xi32>
        tpu.vector_store %arg11[%swap3A_127, %swap3A_128], %add3A_115 {strides = array<i32>} : memref<1x1024xi32, #tpu.memory_space<vmem>>, vector<1x1024xi32>,
      } else {
      }
      %gt3A = arith.constant 0 : i32
      %gt3A_121 = arith.cmpi sgt, %select_n3A_31, %gt3A : i32
      %convert_element_type3A_122 = arith.extui %gt3A_121 : i1 to i32
      %cond3A_123 = arith.constant 0 : i32
      %cond3A_124 = arith.cmpi ne, %convert_element_type3A_122, %cond3A_123 : i32
      scf.if %cond3A_124 {
        %get3A_125 = arith.constant 0 : index
        %get3A_126 = arith.constant 0 : index
        %get3A_127 = vector.load %arg10[%get3A_125, %get3A_126] : memref<1x1024xf32, #tpu.memory_space<vmem>>, vector<1x1024xf32>
        %lt3A_128 = arith.cmpf olt, %broadcast_in_dim3A_108, %get3A_127 : vector<1x1024xf32>
        %get3A_129 = arith.constant 0 : index
        %get3A_130 = arith.constant 0 : index
        %get3A_131 = vector.load %arg10[%get3A_129, %get3A_130] : memref<1x1024xf32, #tpu.memory_space<vmem>>, vector<1x1024xf32>
        %select_n3A_132 = arith.select %lt3A_128, %broadcast_in_dim3A_108, %get3A_131 : vector<1x1024xi1>, vector<1x1024xf32>
        %swap3A = arith.constant 0 : index
        %swap3A_133 = arith.constant 0 : index
        %swap3A_134 = vector.load %arg10[%swap3A, %swap3A_133] : memref<1x1024xf32, #tpu.memory_space<vmem>>, vector<1x1024xf32>
        tpu.vector_store %arg10[%swap3A, %swap3A_133], %select_n3A_132 {strides = array<i32>} : memref<1x1024xf32, #tpu.memory_space<vmem>>, vector<1x1024xf32>,
        %get3A_135 = arith.constant 0 : index
        %get3A_136 = arith.constant 0 : index
        %get3A_137 = vector.load %arg11[%get3A_135, %get3A_136] : memref<1x1024xi32, #tpu.memory_space<vmem>>, vector<1x1024xi32>
        %select_n3A_138 = arith.select %lt3A_128, %add3A_115, %get3A_137 : vector<1x1024xi1>, vector<1x1024xi32>
        %swap3A_139 = arith.constant 0 : index
        %swap3A_140 = arith.constant 0 : index
        %swap3A_141 = vector.load %arg11[%swap3A_139, %swap3A_140] : memref<1x1024xi32, #tpu.memory_space<vmem>>, vector<1x1024xi32>
        tpu.vector_store %arg11[%swap3A_139, %swap3A_140], %select_n3A_138 {strides = array<i32>} : memref<1x1024xi32, #tpu.memory_space<vmem>>, vector<1x1024xi32>,
      } else {
      }
    } else {
    }
    %eq3A_56 = arith.constant 2 : i32
    %eq3A_57 = arith.cmpi eq, %get3A_32, %eq3A_56 : i32
    %jit3A_58 = arith.constant 7 : i32
    %jit3A_59 = arith.constant 3 : i32
    %select_n3A_60 = arith.select %eq3A_57, %jit3A_58, %jit3A_59 : i32
    %eq3A_61 = arith.cmpi eq, %select_n3A_31, %select_n3A_60 : i32
    %and3A_62 = arith.andi %ge3A_33, %eq3A_61 : i1
    %convert_element_type3A_63 = arith.extui %and3A_62 : i1 to i32
    %cond3A_64 = arith.constant 0 : i32
    %cond3A_65 = arith.cmpi ne, %convert_element_type3A_63, %cond3A_64 : i32
    scf.if %cond3A_65 {
      %get3A_77 = arith.constant 0 : index
      %get3A_78 = arith.constant 0 : index
      %get3A_79 = memref.load %arg8[%get3A_77, %get3A_78] : memref<1x1xf32, #tpu.memory_space<smem>>
      %get3A_80 = arith.constant 0 : index
      %get3A_81 = arith.constant 0 : index
      %get3A_82 = vector.load %arg10[%get3A_80, %get3A_81] : memref<1x1024xf32, #tpu.memory_space<vmem>>, vector<1x1024xf32>
      %reduce_sum3A = vector.shape_cast %get3A_82 : vector<1x1024xf32> to vector<1x1x1024xf32>
      %reduce_sum3A_83 = arith.constant dense<0.000000e+00> : vector<1xf32>
      %reduce_sum3A_84 = vector.multi_reduction <add>, %reduce_sum3A, %reduce_sum3A_83 [1, 2] : vector<1x1x1024xf32> to vector<1xf32>
      %reduce_sum3A_85 = vector.shape_cast %reduce_sum3A_84 : vector<1xf32> to vector<1x1x1xf32>
      %reduce_sum3A_86 = vector.extract %reduce_sum3A_85[0, 0, 0] : f32 from vector<1x1x1xf32>
      %add3A_87 = arith.addf %get3A_79, %reduce_sum3A_86 : f32
      %swap3A = arith.constant 0 : index
      %swap3A_88 = arith.constant 0 : index
      %swap3A_89 = memref.load %arg8[%swap3A, %swap3A_88] : memref<1x1xf32, #tpu.memory_space<smem>>
      memref.store %add3A_87, %arg8[%swap3A, %swap3A_88] : memref<1x1xf32, #tpu.memory_space<smem>>
    } else {
    }
    %eq3A_66 = arith.constant 7 : i32
    %eq3A_67 = arith.cmpi eq, %select_n3A_31, %eq3A_66 : i32
    %and3A_68 = arith.andi %ge3A_33, %eq3A_67 : i1
    %convert_element_type3A_69 = arith.extui %and3A_68 : i1 to i32
    %cond3A_70 = arith.constant 0 : i32
    %cond3A_71 = arith.cmpi ne, %convert_element_type3A_69, %cond3A_70 : i32
    scf.if %cond3A_71 {
      %get3A_77 = arith.constant 0 : index
      %get3A_78 = arith.constant 0 : index
      %get3A_79 = vector.load %arg11[%get3A_77, %get3A_78] : memref<1x1024xi32, #tpu.memory_space<vmem>>, vector<1x1024xi32>
      %swap3A = arith.constant 0 : index
      %swap3A_80 = arith.constant 0 : index
      %swap3A_81 = arith.constant 0 : index
      %swap3A_82 = vector.load %arg7[%swap3A, %swap3A_80, %swap3A_81] : memref<1x1x1024xi32, #tpu.memory_space<vmem>>, vector<1x1x1024xi32>
      %swap3A_83 = vector.shape_cast %swap3A_82 : vector<1x1x1024xi32> to vector<1x1024xi32>
      %swap3A_84 = vector.shape_cast %get3A_79 : vector<1x1024xi32> to vector<1x1x1024xi32>
      tpu.vector_store %arg7[%swap3A, %swap3A_80, %swap3A_81], %swap3A_84 {strides = array<i32>} : memref<1x1x1024xi32, #tpu.memory_space<vmem>>, vector<1x1x1024xi32>,
    } else {
    }
    %eq3A_72 = arith.constant 79 : i32
    %eq3A_73 = arith.cmpi eq, %arg0, %eq3A_72 : i32
    %convert_element_type3A_74 = arith.extui %eq3A_73 : i1 to i32
    %cond3A_75 = arith.constant 0 : i32
    %cond3A_76 = arith.cmpi ne, %convert_element_type3A_74, %cond3A_75 : i32
    scf.if %cond3A_76 {
      %get3A_77 = arith.constant 0 : index
      %get3A_78 = arith.constant 0 : index
      %get3A_79 = memref.load %arg8[%get3A_77, %get3A_78] : memref<1x1xf32, #tpu.memory_space<smem>>
      %mul3A = arith.constant 5.96046448E-7 : f32
      %mul3A_80 = arith.mulf %get3A_79, %mul3A : f32
      %swap3A = arith.constant 0 : index
      %swap3A_81 = arith.constant 0 : index
      %swap3A_82 = memref.load %arg8[%swap3A, %swap3A_81] : memref<1x1xf32, #tpu.memory_space<smem>>
      memref.store %mul3A_80, %arg8[%swap3A, %swap3A_81] : memref<1x1xf32, #tpu.memory_space<smem>>
    } else {
    }
    return
  }
  func.func @transform_0(%arg0: i32, %arg1: memref<8xi32, #tpu.memory_space<smem>>) -> (i32, i32) {
    %min3A = arith.constant 15 : i32
    %min3A_0 = arith.minsi %arg0, %min3A : i32
    %c0_i32 = arith.constant 0 : i32
    %c0_i32_1 = arith.constant 0 : i32
    return %min3A_0, %c0_i32 : i32, i32
  }
  func.func @transform_1(%arg0: i32, %arg1: memref<8xi32, #tpu.memory_space<smem>>) -> (i32, i32) {
    %c0_i32 = arith.constant 0 : i32
    %c0_i32_0 = arith.constant 0 : i32
    %c0_i32_1 = arith.constant 0 : i32
    return %c0_i32, %c0_i32_0 : i32, i32
  }
  func.func @transform_2(%arg0: i32, %arg1: memref<8xi32, #tpu.memory_space<smem>>) -> (i32, i32) {
    %c0_i32 = arith.constant 0 : i32
    %c0_i32_0 = arith.constant 0 : i32
    %c0_i32_1 = arith.constant 0 : i32
    return %c0_i32, %c0_i32_0 : i32, i32
  }
  func.func @transform_3(%arg0: i32, %arg1: memref<8xi32, #tpu.memory_space<smem>>) -> (i32, i32, i32) {
    %sub3A = arith.constant 16 : i32
    %sub3A_0 = arith.subi %arg0, %sub3A : i32
    %max3A = arith.constant 0 : i32
    %max3A_1 = arith.maxsi %sub3A_0, %max3A : i32
    %jit3A = arith.constant 8 : i32
    %div3A = arith.divsi %max3A_1, %jit3A : i32
    %sign3A = arith.constant 0 : i32
    %sign3A_2 = arith.cmpi sgt, %max3A_1, %sign3A : i32
    %sign3A_3 = arith.extui %sign3A_2 : i1 to i32
    %sign3A_4 = arith.constant 0 : i32
    %sign3A_5 = arith.cmpi slt, %max3A_1, %sign3A_4 : i32
    %sign3A_6 = arith.extui %sign3A_5 : i1 to i32
    %sign3A_7 = arith.subi %sign3A_3, %sign3A_6 : i32
    %sign3A_8 = arith.constant 0 : i32
    %sign3A_9 = arith.cmpi sgt, %jit3A, %sign3A_8 : i32
    %sign3A_10 = arith.extui %sign3A_9 : i1 to i32
    %sign3A_11 = arith.constant 0 : i32
    %sign3A_12 = arith.cmpi slt, %jit3A, %sign3A_11 : i32
    %sign3A_13 = arith.extui %sign3A_12 : i1 to i32
    %sign3A_14 = arith.subi %sign3A_10, %sign3A_13 : i32
    %ne3A = arith.cmpi ne, %sign3A_7, %sign3A_14 : i32
    %rem3A = arith.remsi %max3A_1, %jit3A : i32
    %ne3A_15 = arith.constant 0 : i32
    %ne3A_16 = arith.cmpi ne, %rem3A, %ne3A_15 : i32
    %and3A = arith.andi %ne3A, %ne3A_16 : i1
    %sub3A_17 = arith.constant 1 : i32
    %sub3A_18 = arith.subi %div3A, %sub3A_17 : i32
    %select_n3A = arith.select %and3A, %sub3A_18, %div3A : i32
    %c0_i32 = arith.constant 0 : i32
    %c0_i32_19 = arith.constant 0 : i32
    %c0_i32_20 = arith.constant 0 : i32
    return %select_n3A, %c0_i32, %c0_i32_19 : i32, i32, i32
  }
  func.func @transform_4(%arg0: i32, %arg1: memref<8xi32, #tpu.memory_space<smem>>) -> (i32, i32) {
    %min3A = arith.constant 15 : i32
    %min3A_0 = arith.minsi %arg0, %min3A : i32
    %c0_i32 = arith.constant 0 : i32
    %c0_i32_1 = arith.constant 0 : i32
    return %min3A_0, %c0_i32 : i32, i32
  }
  func.func @transform_5(%arg0: i32, %arg1: memref<8xi32, #tpu.memory_space<smem>>) -> (i32, i32, i32) {
    %sub3A = arith.constant 16 : i32
    %sub3A_0 = arith.subi %arg0, %sub3A : i32
    %max3A = arith.constant 0 : i32
    %max3A_1 = arith.maxsi %sub3A_0, %max3A : i32
    %jit3A = arith.constant 8 : i32
    %div3A = arith.divsi %max3A_1, %jit3A : i32
    %sign3A = arith.constant 0 : i32
    %sign3A_2 = arith.cmpi sgt, %max3A_1, %sign3A : i32
    %sign3A_3 = arith.extui %sign3A_2 : i1 to i32
    %sign3A_4 = arith.constant 0 : i32
    %sign3A_5 = arith.cmpi slt, %max3A_1, %sign3A_4 : i32
    %sign3A_6 = arith.extui %sign3A_5 : i1 to i32
    %sign3A_7 = arith.subi %sign3A_3, %sign3A_6 : i32
    %sign3A_8 = arith.constant 0 : i32
    %sign3A_9 = arith.cmpi sgt, %jit3A, %sign3A_8 : i32
    %sign3A_10 = arith.extui %sign3A_9 : i1 to i32
    %sign3A_11 = arith.constant 0 : i32
    %sign3A_12 = arith.cmpi slt, %jit3A, %sign3A_11 : i32
    %sign3A_13 = arith.extui %sign3A_12 : i1 to i32
    %sign3A_14 = arith.subi %sign3A_10, %sign3A_13 : i32
    %ne3A = arith.cmpi ne, %sign3A_7, %sign3A_14 : i32
    %rem3A = arith.remsi %max3A_1, %jit3A : i32
    %ne3A_15 = arith.constant 0 : i32
    %ne3A_16 = arith.cmpi ne, %rem3A, %ne3A_15 : i32
    %and3A = arith.andi %ne3A, %ne3A_16 : i1
    %sub3A_17 = arith.constant 1 : i32
    %sub3A_18 = arith.subi %div3A, %sub3A_17 : i32
    %select_n3A = arith.select %and3A, %sub3A_18, %div3A : i32
    %c0_i32 = arith.constant 0 : i32
    %c0_i32_19 = arith.constant 0 : i32
    %c0_i32_20 = arith.constant 0 : i32
    return %select_n3A, %c0_i32, %c0_i32_19 : i32, i32, i32
  }
  func.func @transform_6(%arg0: i32, %arg1: memref<8xi32, #tpu.memory_space<smem>>) -> (i32, i32) {
    %c0_i32 = arith.constant 0 : i32
    %c0_i32_0 = arith.constant 0 : i32
    %c0_i32_1 = arith.constant 0 : i32
    return %c0_i32, %c0_i32_0 : i32, i32
  }
}

</mosaic_0001>

<sc_bundles>
// kernel: kernel.4.cloned.1.call-start
scs
__scs_entry_jumppad:
0x0: {  	(pc) =	sbr.rel $0x88, $3  }
0x1: {  	(tag) =	ssettag $0x0;
	lr =	simm.s32 $0x1  }
0x2: {  	[smem:$0x3F9C] =	sst lr;
	_ =	strace $0xD0000000  }
0x3: {  	_ = 	snop  }
0x4: {  	_ = 	snop  }
0x5: {  	_ = 	snop  }
0x6: {  	_ = 	snop  }
0x7: {  	_ = 	snop  }
__scs_overlays_trampoline_lowered:
0x8: {  	[smem:$0x3FAB] =	sst s0  }
0x9: {  	[smem:$0x3FAC] =	sst s1  }
0xa: {  	[smem:$0x3FAD] =	sst s2  }
0xb: {  	[smem:$0x3FAE] =	sst s3  }
0xc: {  	[smem:$0x3FAF] =	sst s4  }
0xd: {  	[smem:$0x3FB0] =	sst s5  }
0xe: {  	[smem:$0x3FB1] =	sst s6  }
0xf: {  	[smem:$0x3FB2] =	sst s7  }
0x10: {  	[smem:$0x3FB3] =	sst s8  }
0x11: {  	[smem:$0x3FB4] =	sst s9;
	s0 =	simm.s32 @!p0 $0x0  }
0x12: {  	s1 =	sld [smem:$0x3F9A];
	s0 =	simm.s32 @p0 $0x1  }
0x13: {  	[smem:$0x3FB5] =	sst s0;
	s0 =	simm.s32 @!p1 $0x0  }
0x14: {  	s2 =	sld [smem:$0x3F99];
	s0 =	simm.s32 @p1 $0x1  }
0x15: {  	[smem:$0x3FB6] =	sst s0;
	s0 =	simm.s32 @!p2 $0x0  }
0x16: {  	s3 =	sld [smem:$0x3FDB];
	s0 =	simm.s32 @p2 $0x1  }
0x17: {  	s4 =	simm.s32 $0x1BF5;
	[smem:$0x3FB8] =	sst s0  }
0x18: {  	s0 =	sld [smem:$0x3F9B];
	_ =	swait.ge [sflag:s4], $0x0  }
0x19: {  	s7 =	sld [smem:$0x3F9C]  }
0x1a: {  	s8 =	sadd.s32 $0xFFFFE003, lr  }
0x1b: {  	s9 =	sadd.s32 $0xFFFFFEF7, lr;
	s5 =	simm.s32 $0xFFFFFFFF;
	p2 =	slt.u32 s8, $0xFFFFF086  }
0x1c: {  	p1 =	slt.u32 s9, $0xF7A;
	s5 =	simm.s32 @!p2 $0x0  }
0x1d: {  	s5 =	simm.s32 @p1 $0x1;
	p0 =	seq.s32 s7, s2  }
0x1e: {  	s7 =	smul.u32 @!p0 $0xF7A, s2;
	p2 =	seq.s32 @!p0 s5, $0x0  }
0x1f: {  	s9 =	smul.u32 $0xF7A, s1;
	s8 =	simm.s32 @!p0 $0x1BF5;
	p2 =	por !p2, p0  }
0x20: {  	[sflag:s8] =	ssyncset.s32 @!p0 $0xFFFFF086;
	s6 =	sadd.s32 @!p0 s3, s7;
	s7 =	simm.s32 @!p0 $0x108  }
0x21: {  	s3 =	sadd.s32 s3, s9;
	s6 =	sadd.s32 @!p0 $0x88, s6;
	s7 =	simm.s32 @p2 $0x1082  }
0x22: {  	[simem:s7], [sflag:s8] =	dma.local @!p0 [hbm:s6], $0xF7A  }
0x23: {  	s9 =	sor.u32 $0xD0000000, s2;
	s6 =	simm.s32 $0x108;
	_ =	swait.ge @!p0 [sflag:s8], $0x0  }
0x24: {  	s3 =	sadd.s32 $0x88, s3;
	s6 =	simm.s32 @!p1 $0x1082;
	[sflag:s4] =	ssyncset.s32 $0xFFFFF086  }
0x25: {  	[simem:s6], [sflag:s4] =	dma.local [hbm:s3], $0xF7A  }
0x26: {  	[smem:$0x3F9C] =	sst s1;
	(tag) =	ssettag s2;
	_ =	strace s9  }
0x27: {  	s1 =	sld [smem:$0x3FAC]  }
0x28: {  	s2 =	sld [smem:$0x3FAD]  }
0x29: {  	s4 =	sld [smem:$0x3FAF]  }
0x2a: {  	p0 =	seq.s32 s5, $0x0;
	s5 =	sld [smem:$0x3FB0]  }
0x2b: {  	s6 =	sld [smem:$0x3FB1]  }
0x2c: {  	s7 =	sld [smem:$0x3FB2]  }
0x2d: {  	s3 =	simm.s32 $0x108;
	s8 =	sld [smem:$0x3FB3]  }
0x2e: {  	s3 =	simm.s32 @!p0 $0x1082;
	s9 =	sld [smem:$0x3FB4]  }
0x2f: {  	lr =	sadd.s32 s0, s3;
	s0 =	sld [smem:$0x3FAB]  }
0x30: {  	s3 =	sld [smem:$0x3FAE]  }
0x31: {  	[smem:$0x3FB7] =	sst s10  }
0x32: {  	s10 =	sld [smem:$0x3FB5];
	_ =	sdelay $0x3  }
0x33: {  	p0 =	seq.s32 s10, $0x1;
	s10 =	sld [smem:$0x3FB7];
	_ =	sdelay $0x3  }
0x34: {  	[smem:$0x3FB7] =	sst s10  }
0x35: {  	s10 =	sld [smem:$0x3FB6];
	_ =	sdelay $0x3  }
0x36: {  	p1 =	seq.s32 s10, $0x1;
	s10 =	sld [smem:$0x3FB7];
	_ =	sdelay $0x3  }
0x37: {  	[smem:$0x3FB7] =	sst s10  }
0x38: {  	s10 =	sld [smem:$0x3FB8]  }
0x39: {  	_ = 	snop;
	(pc) =	sbr.ind lr, $3  }
0x3a: {  	_ = 	snop  }
0x3b: {  	_ = 	snop  }
0x3c: {  	p2 =	seq.s32 s10, $0x1;
	s10 =	sld [smem:$0x3FB7]  }
0x3d: {  	_ =	shalt  }
0x3e: {  	_ =	shalt  }
0x3f: {  	_ =	shalt  }
0x40: {  	_ =	shalt  }
0x41: {  	_ =	shalt  }
0x42: {  	_ =	shalt  }
0x43: {  	_ =	shalt  }
0x44: {  	_ =	shalt  }
0x45: {  	_ =	shalt  }
0x46: {  	_ =	shalt  }
0x47: {  	_ =	shalt  }
0x48: {  	_ =	shalt  }
0x49: {  	_ =	shalt  }
0x4a: {  	_ =	shalt  }
0x4b: {  	_ =	shalt  }
0x4c: {  	_ =	shalt  }
0x4d: {  	_ =	shalt  }
0x4e: {  	_ =	shalt  }
0x4f: {  	_ =	shalt  }
0x50: {  	_ =	shalt  }
0x51: {  	_ =	shalt  }
0x52: {  	_ =	shalt  }
0x53: {  	_ =	shalt  }
0x54: {  	_ =	shalt  }
0x55: {  	_ =	shalt  }
0x56: {  	_ =	shalt  }
0x57: {  	_ =	shalt  }
0x58: {  	_ =	shalt  }
0x59: {  	_ =	shalt  }
0x5a: {  	_ =	shalt  }
0x5b: {  	_ =	shalt  }
0x5c: {  	_ =	shalt  }
0x5d: {  	_ =	shalt  }
0x5e: {  	_ =	shalt  }
0x5f: {  	_ =	shalt  }
0x60: {  	_ =	shalt  }
0x61: {  	_ =	shalt  }
0x62: {  	_ =	shalt  }
0x63: {  	_ =	shalt  }
0x64: {  	_ =	shalt  }
0x65: {  	_ =	shalt  }
0x66: {  	_ =	shalt  }
0x67: {  	_ =	shalt  }
0x68: {  	_ =	shalt  }
0x69: {  	_ =	shalt  }
0x6a: {  	_ =	shalt  }
0x6b: {  	_ =	shalt  }
0x6c: {  	_ =	shalt  }
0x6d: {  	_ =	shalt  }
0x6e: {  	_ =	shalt  }
0x6f: {  	_ =	shalt  }
0x70: {  	_ =	shalt  }
0x71: {  	_ =	shalt  }
0x72: {  	_ =	shalt  }
0x73: {  	_ =	shalt  }
0x74: {  	_ =	shalt  }
0x75: {  	_ =	shalt  }
0x76: {  	_ =	shalt  }
0x77: {  	_ =	shalt  }
0x78: {  	_ =	shalt  }
0x79: {  	_ =	shalt  }
0x7a: {  	_ =	shalt  }
0x7b: {  	_ =	shalt  }
0x7c: {  	_ =	shalt  }
0x7d: {  	_ =	shalt  }
0x7e: {  	_ =	shalt  }
0x7f: {  	_ =	shalt  }
0x80: {  	_ =	shalt  }
0x81: {  	_ =	shalt  }
0x82: {  	_ =	shalt  }
0x83: {  	_ =	shalt  }
0x84: {  	_ =	shalt  }
0x85: {  	_ =	shalt  }
0x86: {  	_ =	shalt  }
0x87: {  	_ =	shalt  }
.Lfunc_end0:
.L_simem_size_0:
called_computation_lowered:
.L_overlay_start_0:
0x88: {  	s2 =	sld [smem:$0x3FD9]  }
0x89: {  	s3 =	sld [smem:$0x3FFE];
	_ =	sdelay $0x1  }
0x8a: {  	s1 =	srdreg.scid  }
0x8b: {  	s0 =	sand.u32 $0x1, s1  }
0x8c: {  	s14 =	sshll.u32 s0, $0xA;
	s2 =	sadd.s32 s3, s2  }
0x8d: {  	s2 =	sadd.s32 s2, s14  }
0x8e: {  	[smem:$0x3FC3] =	sst s2  }
0x8f: {  	_ = 	snop  }
0x90: {  	s2 =	sld [smem:$0x3FD0];
	_ =	sdelay $0x2  }
0x91: {  	s15 =	simm.s32 $0xA;
	s4 =	simm.s32 $0x10  }
0x92: {  	[smem:s4], [sflag:s15] =	dma.local [hbm:s2], $0x1  }
0x93: {  	_ =	swait.eq [sflag:s15], $0x1  }
0x94: {  	[sflag:s15] =	ssyncset.done $0x0  }
0x95: {  	[sflag:s15] =	ssyncadd.s32 $0xFFFFFFFF  }
0x96: {  	s16 =	sld [smem:$0x10];
	(tm) =	ssettm $0x1  }
0x97: {  	s17 =	sld [smem:$0x3FFB];
	_ =	sdelay $0x3  }
0x98: {  	_ =	strace s17  }
0x99: {  	s3 =	sld [smem:$0x3FFC];
	_ =	sdelay $0x3  }
0x9a: {  	_ =	strace s3  }
0x9b: {  	s3 =	sld [smem:$0x3FFD];
	_ =	sdelay $0x3  }
0x9c: {  	_ =	strace s3  }
0x9d: {  	_ =	strace $0x8FFFFFFF  }
0x9e: {  	s18 =	sld [smem:$0x3FDB];
	_ =	sdelay $0x1  }
0x9f: {  	s19 =	simm.s32 $_scs_section_size  }
0xa0: {  	s5 =	simm.s32 $_size__tile_overlayer_lowered;
	s6 =	simm.s32 $_tile_overlayer_lowered  }
0xa1: {  	s22 =	simm.s32 $0x1BFF;
	s21 =	sshll.u32 s6, $0x1;
	s3 =	sadd.s32 s19, s18  }
0xa2: {  	s7 =	simm.s32 $0x0;
	s20 =	sshll.u32 s5, $0x1;
	s5 =	sadd.s32 s21, s3  }
0xa3: {  	[timem:s7], [sflag:s22] =	dma.local [hbm:s5], s20  }
0xa4: {  	_ =	swait.ge [sflag:s22], s20  }
0xa5: {  	s4 =	ssub.s32 $0x0, s20;
	[sflag:s22] =	ssyncset.done $0x0  }
0xa6: {  	[sflag:s22] =	ssyncadd.s32 s4;
	_ =	sdelay $0x1  }
0xa7: {  	s23 =	simm.s32 $0x1B8B  }
0xa8: {  	_ =	swait.ge [sflag:s23], $0x1  }
0xa9: {  	[sflag:s23] =	ssyncset.done $0x0  }
0xaa: {  	s25 =	simm.s32 $0x1B8E;
	s24 =	sld [smem:$0x3FFE];
	[sflag:s23] =	ssyncadd.s32 $0xFFFFFFFF  }
0xab: {  	s26 =	simm.s32 $execute0_lowered;
	[smem:$0x3FD2] =	sst s25  }
0xac: {  	s5 =	sshll.u32 s26, $0x1;
	_ =	strace $0x80000046;
	[dreg:$0x1] =	wrdreg $0xFFFFFFFF  }
0xad: {  	s28 =	simm.s32 $_size_execute0_lowered;
	s3 =	sadd.s32 s3, s5;
	[dreg:$0x0] =	wrdreg $0x0  }
0xae: {  	s5 =	sshll.u32 s28, $0x1;
	[dreg:$0x2] =	wrdreg s3  }
0xaf: {  	[dreg:$0x3] =	wrdreg s5  }
0xb0: {  	[dreg:$0x4] =	wrdreg $0xC0  }
0xb1: {  	_ =	task [dreg:s7], $0x5FFFF  }
0xb2: {  	[dreg:$0x1] =	wrdreg $0xFFFFFFFF  }
0xb3: {  	[dreg:$0x0] =	wrdreg $0x60  }
0xb4: {  	[dreg:$0x2] =	wrdreg s16  }
0xb5: {  	[dreg:$0x3] =	wrdreg s24  }
0xb6: {  	[dreg:$0x4] =	wrdreg $0x9  }
0xb7: {  	_ =	task.clear_ibuf [dreg:s7], $0x5FFFF;
	_ =	strace $0x90000046  }
0xb8: {  	s29 =	simm.s32 $0x9;
	_ =	strace $0x80000048  }
0xb9: {  	_ =	swait.ge [sflag:s29], $0x1  }
0xba: {  	[sflag:s29] =	ssyncadd.s32 $0xFFFFFFFF  }
0xbb: {  	_ =	strace $0x90000048  }
0xbc: {  	_ =	sfence  }
0xbd: {  	s30 =	sld [smem:$0x0];
	_ =	sdelay $0x2  }
0xbe: {  	s31 =	sshll.u32 s1, $0xD;
	s1 =	sshrl.u32 s1, $0x2  }
0xbf: {  	s3 =	sand.u32 $0x4000, s31;
	s1 =	sadd.s32 s1, s30  }
0xc0: {  	s0 =	sor.u32 s3, s0;
	s1 =	sshll.u32 s1, $0x11  }
0xc1: {  	s0 =	sor.u32 s1, s0  }
0xc2: {  	s0 =	sadd.s32 $0x8F2B, s0  }
0xc3: {  	[sflag:s0] =	ssyncadd.remote.s32 $0x1  }
0xc4: {  	_ =	sfence.sel $0xFFFF  }
0xc5: {  	[dreg:$0x0] =	wrdreg $0xFFFFFFFF;
	(pc) =	sbr.abs _section_cstart, $3  }
0xc6: {  	[dreg:$0x1] =	wrdreg $0xFFFFFFFF  }
0xc7: {  	_ =	task.clear_ibuf [dreg:s7], $0x2FFFF;
	_ =	strace $0x9FFFFFFF  }
0xc8: {  	(tm) =	ssettm $0x7FFFFFFF  }
0xc9: {  	_ =	shalt  }
tec
execute0_lowered:
.L_overlay_start_1:
0x0: {  	(tag) =	ssettag $0x1  }
0x1: {  	s1 =	srdreg.scid  }
0x2: {  	s0 =	stileid.u32;
	s2 =	rddreg [dreg:$0x0]  }
0x3: {  	s5 =	rddreg [dreg:$0x1];
	s19 =	simm.s32 $0x900;
	s20 =	simm.s32 $0x1100  }
0x4: {  	s21 =	simm.s32 $0x1900;
	s23 =	simm.s32 $0x2100;
	s24 =	simm.s32 $0x2900  }
0x5: {  	s25 =	simm.s32 $0x3100;
	s26 =	simm.s32 $0x3900;
	s8 =	simm.s32 $0x4900  }
0x6: {  	s9 =	simm.s32 $0x5100;
	s10 =	simm.s32 $0x5900;
	s11 =	simm.s32 $0x6100  }
0x7: {  	s12 =	simm.s32 $0x6900;
	s13 =	simm.s32 $0x7100;
	s1 =	sand.u32 $0x1, s1  }
0x8: {  	s14 =	simm.s32 $0x7900;
	s3 =	sshll.u32 s0, $0x9;
	s4 =	sshll.u32 s1, $0x8  }
0x9: {  	s15 =	simm.s32 $0x8100;
	s4 =	sor.u32 s4, s3;
	s3 =	simm.s32 $0x0  }
0xa: {  	s16 =	simm.s32 $0x8900;
	s17 =	simm.s32 $0x9100;
	[smem:$0x7FF] =	sst s3  }
0xb: {  	s28 =	simm.s32 $0xE100;
	_ =	strace $0x80000047;
	[dreg:$0x5] =	wrdreg s19  }
0xc: {  	s29 =	simm.s32 $0xE900;
	s30 =	simm.s32 $0xF100;
	[dreg:$0x6] =	wrdreg s20  }
0xd: {  	s31 =	simm.s32 $0xF900;
	s1 =	ssub.s32 $0x2, s1;
	[dreg:$0x7] =	wrdreg s21  }
0xe: {  	s22 =	sshrl.u32 s1, $0x1;
	s6 =	sshrl.u32 s4, $0x3;
	[dreg:$0x8] =	wrdreg s23  }
0xf: {  	s4 =	sshll.u32 s4, $0x5;
	s1 =	ssub.s32 s1, s22;
	[dreg:$0x9] =	wrdreg s24  }
0x10: {  	s22 =	simm.s32 $0xB900;
	s6 =	sadd.s32 s6, s5;
	[dreg:$0xa] =	wrdreg s25  }
0x11: {  	s4 =	sadd.s32 s4, s5;
	s5 =	simm.s32 $0x2;
	[dreg:$0xb] =	wrdreg s26  }
0x12: {  	s19 =	simm.s32 $0xA100;
	s20 =	simm.s32 $0xA900;
	s21 =	simm.s32 $0xB100  }
0x13: {  	s23 =	simm.s32 $0xC100;
	s24 =	simm.s32 $0xC900;
	s18 =	sadd.s32 $0x1400, s6  }
0x14: {  	v2 =	vlaneseq.u32;
	s25 =	simm.s32 $0xD100;
	s4 =	sadd.s32 $0x1800, s4;
	[dreg:$0x3] =	wrdreg s18  }
0x15: {  	vm0 =	vmmov $0xffff;
	v1 =	vshrl.u32 v2, $0x3;
	s26 =	simm.s32 $0xD900;
	s6 =	simm.s32 $0x100;
	[dreg:$0x4] =	wrdreg s4  }
0x16: {  	v0 =	vand.u32 $0x7, v2;
	v2 =	vor.u32 $0x8, v2;
	v1 =	vmul.u32 $0x8, v1;
	s4 =	smax.u32 s1, $0x1;
	s18 =	simm.s32 $0x9900;
	s1 =	simm.s32 $0x1  }
.LBB2_1:
0x17: {  	s0 =	rddreg [dreg:$0x3]  }
0x18: {  	[tilespmem:s3], [sflag:$0x2] =	stream.linear.gather [hbm4b:s0+s3], $0x100, $0x38;
	[tilespmem:$0x10100] =	vst v63  }
0x19: {  	_ =	swait.ge [sflag:s5], $0x100  }
0x1a: {  	[sflag:s5] =	ssyncset.done $0x0  }
0x1b: {  	[sflag:s5] =	ssyncadd.s32 $0xFFFFFF00  }
0x1c: {  	v3 =	vld [tilespmem:$0x0];
	_ =	sdelay $0x4  }
0x1d: {  	v4 =	vshll.u32 v3, $0x1  }
0x1e: {  	v3 =	vand.u32 $0x7, v3;
	v4 =	vand.u32 $0xFFFFFFF0, v4  }
0x1f: {  	v3 =	vor.u32 v3, v4  }
0x20: {  	v4 =	vperm.xlane v3, v0;
	_ =	sdelay $0x1  }
0x21: {  	v3 =	vperm.xlane v3, v2;
	v4 =	vadd.s32 v1, v4;
	_ =	sdelay $0x1  }
0x22: {  	v3 =	vadd.s32 v1, v3;
	_ =	sdelay $0x2  }
0x23: {  	[tilespmem:s6], [sflag:$0x1] =	stream.indirect_vreg.gather [hbm4b:s2+s3], $0x80, v4, vm0, $0xb8;
	[tilespmem:$0x10100] =	vst v63  }
0x24: {  	s7 =	rddreg [dreg:$0x5]  }
0x25: {  	[tilespmem:s7], [sflag:$0x1] =	stream.indirect_vreg.gather [hbm4b:s2+s3], $0x80, v3, vm0, $0xb8;
	[tilespmem:$0x10100] =	vst v63  }
0x26: {  	v3 =	vld [tilespmem:$0x10];
	_ =	sdelay $0x4  }
0x27: {  	v49 =	vshll.u32 v3, $0x1  }
0x28: {  	v3 =	vand.u32 $0x7, v3;
	v4 =	vand.u32 $0xFFFFFFF0, v49  }
0x29: {  	v3 =	vor.u32 v3, v4  }
0x2a: {  	v4 =	vperm.xlane v3, v0;
	_ =	sdelay $0x1  }
0x2b: {  	v3 =	vperm.xlane v3, v2;
	v4 =	vadd.s32 v1, v4;
	_ =	sdelay $0x1  }
0x2c: {  	v3 =	vadd.s32 v1, v3;
	_ =	sdelay $0x1  }
0x2d: {  	s0 =	rddreg [dreg:$0x6]  }
0x2e: {  	[tilespmem:s0], [sflag:$0x1] =	stream.indirect_vreg.gather [hbm4b:s2+s3], $0x80, v4, vm0, $0xb8;
	[tilespmem:$0x10100] =	vst v63  }
0x2f: {  	s7 =	rddreg [dreg:$0x7]  }
0x30: {  	[tilespmem:s7], [sflag:$0x1] =	stream.indirect_vreg.gather [hbm4b:s2+s3], $0x80, v3, vm0, $0xb8;
	[tilespmem:$0x10100] =	vst v63  }
0x31: {  	v3 =	vld [tilespmem:$0x20];
	_ =	sdelay $0x4  }
0x32: {  	v50 =	vshll.u32 v3, $0x1  }
0x33: {  	v3 =	vand.u32 $0x7, v3;
	v4 =	vand.u32 $0xFFFFFFF0, v50  }
0x34: {  	v3 =	vor.u32 v3, v4  }
0x35: {  	v4 =	vperm.xlane v3, v0;
	_ =	sdelay $0x1  }
0x36: {  	v3 =	vperm.xlane v3, v2;
	v4 =	vadd.s32 v1, v4;
	_ =	sdelay $0x1  }
0x37: {  	v3 =	vadd.s32 v1, v3;
	_ =	sdelay $0x1  }
0x38: {  	s0 =	rddreg [dreg:$0x8]  }
0x39: {  	[tilespmem:s0], [sflag:$0x1] =	stream.indirect_vreg.gather [hbm4b:s2+s3], $0x80, v4, vm0, $0xb8;
	[tilespmem:$0x10100] =	vst v63  }
0x3a: {  	s7 =	rddreg [dreg:$0x9]  }
0x3b: {  	[tilespmem:s7], [sflag:$0x1] =	stream.indirect_vreg.gather [hbm4b:s2+s3], $0x80, v3, vm0, $0xb8;
	[tilespmem:$0x10100] =	vst v63  }
0x3c: {  	v3 =	vld [tilespmem:$0x30];
	_ =	sdelay $0x4  }
0x3d: {  	v51 =	vshll.u32 v3, $0x1  }
0x3e: {  	v3 =	vand.u32 $0x7, v3;
	v4 =	vand.u32 $0xFFFFFFF0, v51  }
0x3f: {  	v3 =	vor.u32 v3, v4  }
0x40: {  	v4 =	vperm.xlane v3, v0;
	_ =	sdelay $0x1  }
0x41: {  	v3 =	vperm.xlane v3, v2;
	v4 =	vadd.s32 v1, v4;
	_ =	sdelay $0x1  }
0x42: {  	v3 =	vadd.s32 v1, v3;
	_ =	sdelay $0x1  }
0x43: {  	s0 =	rddreg [dreg:$0xa]  }
0x44: {  	[tilespmem:s0], [sflag:$0x1] =	stream.indirect_vreg.gather [hbm4b:s2+s3], $0x80, v4, vm0, $0xb8;
	[tilespmem:$0x10100] =	vst v63  }
0x45: {  	s7 =	rddreg [dreg:$0xb]  }
0x46: {  	[tilespmem:s7], [sflag:$0x1] =	stream.indirect_vreg.gather [hbm4b:s2+s3], $0x80, v3, vm0, $0xb8;
	[tilespmem:$0x10100] =	vst v63  }
0x47: {  	v3 =	vld [tilespmem:$0x40];
	_ =	sdelay $0x4  }
0x48: {  	v52 =	vshll.u32 v3, $0x1  }
0x49: {  	v3 =	vand.u32 $0x7, v3;
	v4 =	vand.u32 $0xFFFFFFF0, v52  }
0x4a: {  	v3 =	vor.u32 v3, v4  }
0x4b: {  	v4 =	vperm.xlane v3, v0;
	_ =	sdelay $0x1  }
0x4c: {  	v3 =	vperm.xlane v3, v2;
	v4 =	vadd.s32 v1, v4;
	_ =	sdelay $0x1  }
0x4d: {  	v3 =	vadd.s32 v1, v3;
	_ =	sdelay $0x1  }
0x4e: {  	s7 =	simm.s32 $0x4100  }
0x4f: {  	[tilespmem:s7], [sflag:$0x1] =	stream.indirect_vreg.gather [hbm4b:s2+s3], $0x80, v4, vm0, $0xb8;
	[tilespmem:$0x10100] =	vst v63  }
0x50: {  	_ = 	snop  }
0x51: {  	[tilespmem:s8], [sflag:$0x1] =	stream.indirect_vreg.gather [hbm4b:s2+s3], $0x80, v3, vm0, $0xb8;
	[tilespmem:$0x10100] =	vst v63  }
0x52: {  	v3 =	vld [tilespmem:$0x50];
	_ =	sdelay $0x4  }
0x53: {  	v53 =	vshll.u32 v3, $0x1  }
0x54: {  	v3 =	vand.u32 $0x7, v3;
	v4 =	vand.u32 $0xFFFFFFF0, v53  }
0x55: {  	v3 =	vor.u32 v3, v4  }
0x56: {  	v4 =	vperm.xlane v3, v0;
	_ =	sdelay $0x1  }
0x57: {  	v3 =	vperm.xlane v3, v2;
	v4 =	vadd.s32 v1, v4;
	_ =	sdelay $0x1  }
0x58: {  	v3 =	vadd.s32 v1, v3;
	_ =	sdelay $0x2  }
0x59: {  	[tilespmem:s9], [sflag:$0x1] =	stream.indirect_vreg.gather [hbm4b:s2+s3], $0x80, v4, vm0, $0xb8;
	[tilespmem:$0x10100] =	vst v63  }
0x5a: {  	_ = 	snop  }
0x5b: {  	[tilespmem:s10], [sflag:$0x1] =	stream.indirect_vreg.gather [hbm4b:s2+s3], $0x80, v3, vm0, $0xb8;
	[tilespmem:$0x10100] =	vst v63  }
0x5c: {  	v3 =	vld [tilespmem:$0x60];
	_ =	sdelay $0x4  }
0x5d: {  	v54 =	vshll.u32 v3, $0x1  }
0x5e: {  	v3 =	vand.u32 $0x7, v3;
	v4 =	vand.u32 $0xFFFFFFF0, v54  }
0x5f: {  	v3 =	vor.u32 v3, v4  }
0x60: {  	v4 =	vperm.xlane v3, v0;
	_ =	sdelay $0x1  }
0x61: {  	v3 =	vperm.xlane v3, v2;
	v4 =	vadd.s32 v1, v4;
	_ =	sdelay $0x1  }
0x62: {  	v3 =	vadd.s32 v1, v3;
	_ =	sdelay $0x2  }
0x63: {  	[tilespmem:s11], [sflag:$0x1] =	stream.indirect_vreg.gather [hbm4b:s2+s3], $0x80, v4, vm0, $0xb8;
	[tilespmem:$0x10100] =	vst v63  }
0x64: {  	_ = 	snop  }
0x65: {  	[tilespmem:s12], [sflag:$0x1] =	stream.indirect_vreg.gather [hbm4b:s2+s3], $0x80, v3, vm0, $0xb8;
	[tilespmem:$0x10100] =	vst v63  }
0x66: {  	v3 =	vld [tilespmem:$0x70];
	_ =	sdelay $0x4  }
0x67: {  	v55 =	vshll.u32 v3, $0x1  }
0x68: {  	v3 =	vand.u32 $0x7, v3;
	v4 =	vand.u32 $0xFFFFFFF0, v55  }
0x69: {  	v3 =	vor.u32 v3, v4  }
0x6a: {  	v4 =	vperm.xlane v3, v0;
	_ =	sdelay $0x1  }
0x6b: {  	v3 =	vperm.xlane v3, v2;
	v4 =	vadd.s32 v1, v4;
	_ =	sdelay $0x1  }
0x6c: {  	v3 =	vadd.s32 v1, v3;
	_ =	sdelay $0x2  }
0x6d: {  	[tilespmem:s13], [sflag:$0x1] =	stream.indirect_vreg.gather [hbm4b:s2+s3], $0x80, v4, vm0, $0xb8;
	[tilespmem:$0x10100] =	vst v63  }
0x6e: {  	_ = 	snop  }
0x6f: {  	[tilespmem:s14], [sflag:$0x1] =	stream.indirect_vreg.gather [hbm4b:s2+s3], $0x80, v3, vm0, $0xb8;
	[tilespmem:$0x10100] =	vst v63  }
0x70: {  	v3 =	vld [tilespmem:$0x80];
	_ =	sdelay $0x4  }
0x71: {  	v56 =	vshll.u32 v3, $0x1  }
0x72: {  	v3 =	vand.u32 $0x7, v3;
	v4 =	vand.u32 $0xFFFFFFF0, v56  }
0x73: {  	v3 =	vor.u32 v3, v4  }
0x74: {  	v4 =	vperm.xlane v3, v0;
	_ =	sdelay $0x1  }
0x75: {  	v3 =	vperm.xlane v3, v2;
	v4 =	vadd.s32 v1, v4;
	_ =	sdelay $0x1  }
0x76: {  	v3 =	vadd.s32 v1, v3;
	_ =	sdelay $0x2  }
0x77: {  	[tilespmem:s15], [sflag:$0x1] =	stream.indirect_vreg.gather [hbm4b:s2+s3], $0x80, v4, vm0, $0xb8;
	[tilespmem:$0x10100] =	vst v63  }
0x78: {  	_ = 	snop  }
0x79: {  	[tilespmem:s16], [sflag:$0x1] =	stream.indirect_vreg.gather [hbm4b:s2+s3], $0x80, v3, vm0, $0xb8;
	[tilespmem:$0x10100] =	vst v63  }
0x7a: {  	v3 =	vld [tilespmem:$0x90];
	_ =	sdelay $0x4  }
0x7b: {  	v57 =	vshll.u32 v3, $0x1  }
0x7c: {  	v3 =	vand.u32 $0x7, v3;
	v4 =	vand.u32 $0xFFFFFFF0, v57  }
0x7d: {  	v3 =	vor.u32 v3, v4  }
0x7e: {  	v4 =	vperm.xlane v3, v0;
	_ =	sdelay $0x1  }
0x7f: {  	v3 =	vperm.xlane v3, v2;
	v4 =	vadd.s32 v1, v4;
	_ =	sdelay $0x1  }
0x80: {  	v3 =	vadd.s32 v1, v3;
	_ =	sdelay $0x2  }
0x81: {  	[tilespmem:s17], [sflag:$0x1] =	stream.indirect_vreg.gather [hbm4b:s2+s3], $0x80, v4, vm0, $0xb8;
	[tilespmem:$0x10100] =	vst v63  }
0x82: {  	_ = 	snop  }
0x83: {  	[tilespmem:s18], [sflag:$0x1] =	stream.indirect_vreg.gather [hbm4b:s2+s3], $0x80, v3, vm0, $0xb8;
	[tilespmem:$0x10100] =	vst v63  }
0x84: {  	v3 =	vld [tilespmem:$0xA0];
	_ =	sdelay $0x4  }
0x85: {  	v58 =	vshll.u32 v3, $0x1  }
0x86: {  	v3 =	vand.u32 $0x7, v3;
	v4 =	vand.u32 $0xFFFFFFF0, v58  }
0x87: {  	v3 =	vor.u32 v3, v4  }
0x88: {  	v4 =	vperm.xlane v3, v0;
	_ =	sdelay $0x1  }
0x89: {  	v3 =	vperm.xlane v3, v2;
	v4 =	vadd.s32 v1, v4;
	_ =	sdelay $0x1  }
0x8a: {  	v3 =	vadd.s32 v1, v3;
	_ =	sdelay $0x2  }
0x8b: {  	[tilespmem:s19], [sflag:$0x1] =	stream.indirect_vreg.gather [hbm4b:s2+s3], $0x80, v4, vm0, $0xb8;
	[tilespmem:$0x10100] =	vst v63  }
0x8c: {  	_ = 	snop  }
0x8d: {  	[tilespmem:s20], [sflag:$0x1] =	stream.indirect_vreg.gather [hbm4b:s2+s3], $0x80, v3, vm0, $0xb8;
	[tilespmem:$0x10100] =	vst v63  }
0x8e: {  	v3 =	vld [tilespmem:$0xB0];
	_ =	sdelay $0x4  }
0x8f: {  	v59 =	vshll.u32 v3, $0x1  }
0x90: {  	v3 =	vand.u32 $0x7, v3;
	v4 =	vand.u32 $0xFFFFFFF0, v59  }
0x91: {  	v3 =	vor.u32 v3, v4  }
0x92: {  	v4 =	vperm.xlane v3, v0;
	_ =	sdelay $0x1  }
0x93: {  	v3 =	vperm.xlane v3, v2;
	v4 =	vadd.s32 v1, v4;
	_ =	sdelay $0x1  }
0x94: {  	v3 =	vadd.s32 v1, v3;
	_ =	sdelay $0x2  }
0x95: {  	[tilespmem:s21], [sflag:$0x1] =	stream.indirect_vreg.gather [hbm4b:s2+s3], $0x80, v4, vm0, $0xb8;
	[tilespmem:$0x10100] =	vst v63  }
0x96: {  	_ = 	snop  }
0x97: {  	[tilespmem:s22], [sflag:$0x1] =	stream.indirect_vreg.gather [hbm4b:s2+s3], $0x80, v3, vm0, $0xb8;
	[tilespmem:$0x10100] =	vst v63  }
0x98: {  	v3 =	vld [tilespmem:$0xC0];
	_ =	sdelay $0x4  }
0x99: {  	v60 =	vshll.u32 v3, $0x1  }
0x9a: {  	v3 =	vand.u32 $0x7, v3;
	v4 =	vand.u32 $0xFFFFFFF0, v60  }
0x9b: {  	v3 =	vor.u32 v3, v4  }
0x9c: {  	v4 =	vperm.xlane v3, v0;
	_ =	sdelay $0x1  }
0x9d: {  	v3 =	vperm.xlane v3, v2;
	v4 =	vadd.s32 v1, v4;
	_ =	sdelay $0x1  }
0x9e: {  	v3 =	vadd.s32 v1, v3;
	_ =	sdelay $0x2  }
0x9f: {  	[tilespmem:s23], [sflag:$0x1] =	stream.indirect_vreg.gather [hbm4b:s2+s3], $0x80, v4, vm0, $0xb8;
	[tilespmem:$0x10100] =	vst v63  }
0xa0: {  	_ = 	snop  }
0xa1: {  	[tilespmem:s24], [sflag:$0x1] =	stream.indirect_vreg.gather [hbm4b:s2+s3], $0x80, v3, vm0, $0xb8;
	[tilespmem:$0x10100] =	vst v63  }
0xa2: {  	v3 =	vld [tilespmem:$0xD0];
	_ =	sdelay $0x4  }
0xa3: {  	v61 =	vshll.u32 v3, $0x1  }
0xa4: {  	v3 =	vand.u32 $0x7, v3;
	v4 =	vand.u32 $0xFFFFFFF0, v61  }
0xa5: {  	v3 =	vor.u32 v3, v4  }
0xa6: {  	v4 =	vperm.xlane v3, v0;
	_ =	sdelay $0x1  }
0xa7: {  	v3 =	vperm.xlane v3, v2;
	v4 =	vadd.s32 v1, v4;
	_ =	sdelay $0x1  }
0xa8: {  	v3 =	vadd.s32 v1, v3;
	_ =	sdelay $0x2  }
0xa9: {  	[tilespmem:s25], [sflag:$0x1] =	stream.indirect_vreg.gather [hbm4b:s2+s3], $0x80, v4, vm0, $0xb8;
	[tilespmem:$0x10100] =	vst v63  }
0xaa: {  	_ = 	snop  }
0xab: {  	[tilespmem:s26], [sflag:$0x1] =	stream.indirect_vreg.gather [hbm4b:s2+s3], $0x80, v3, vm0, $0xb8;
	[tilespmem:$0x10100] =	vst v63  }
0xac: {  	v3 =	vld [tilespmem:$0xE0];
	_ =	sdelay $0x4  }
0xad: {  	v62 =	vshll.u32 v3, $0x1  }
0xae: {  	v3 =	vand.u32 $0x7, v3;
	v4 =	vand.u32 $0xFFFFFFF0, v62  }
0xaf: {  	v3 =	vor.u32 v3, v4  }
0xb0: {  	v4 =	vperm.xlane v3, v0;
	_ =	sdelay $0x1  }
0xb1: {  	v3 =	vperm.xlane v3, v2;
	v4 =	vadd.s32 v1, v4;
	_ =	sdelay $0x1  }
0xb2: {  	v3 =	vadd.s32 v1, v3;
	_ =	sdelay $0x2  }
0xb3: {  	[tilespmem:s28], [sflag:$0x1] =	stream.indirect_vreg.gather [hbm4b:s2+s3], $0x80, v4, vm0, $0xb8;
	[tilespmem:$0x10100] =	vst v63  }
0xb4: {  	_ = 	snop  }
0xb5: {  	[tilespmem:s29], [sflag:$0x1] =	stream.indirect_vreg.gather [hbm4b:s2+s3], $0x80, v3, vm0, $0xb8;
	[tilespmem:$0x10100] =	vst v63  }
0xb6: {  	v3 =	vld [tilespmem:$0xF0];
	_ =	sdelay $0x4  }
0xb7: {  	v63 =	vshll.u32 v3, $0x1  }
0xb8: {  	v3 =	vand.u32 $0x7, v3;
	v4 =	vand.u32 $0xFFFFFFF0, v63  }
0xb9: {  	v3 =	vor.u32 v3, v4  }
0xba: {  	v4 =	vperm.xlane v3, v0;
	_ =	sdelay $0x1  }
0xbb: {  	v3 =	vperm.xlane v3, v2;
	v4 =	vadd.s32 v1, v4;
	_ =	sdelay $0x1  }
0xbc: {  	v3 =	vadd.s32 v1, v3;
	_ =	sdelay $0x2  }
0xbd: {  	[tilespmem:s30], [sflag:$0x1] =	stream.indirect_vreg.gather [hbm4b:s2+s3], $0x80, v4, vm0, $0xb8;
	[tilespmem:$0x10100] =	vst v63  }
0xbe: {  	_ = 	snop  }
0xbf: {  	[tilespmem:s31], [sflag:$0x1] =	stream.indirect_vreg.gather [hbm4b:s2+s3], $0x80, v3, vm0, $0xb8;
	[tilespmem:$0x10100] =	vst v63  }
0xc0: {  	_ =	swait.ge [sflag:s1], $0x8000  }
0xc1: {  	[sflag:s1] =	ssyncset.done $0x0  }
0xc2: {  	[sflag:s1] =	ssyncadd.s32 $0xFFFF8000  }
0xc3: {  	_ =	swait.ge [sflag:s1], $0x8000  }
0xc4: {  	p0 =	sne.s32 s4, $0x1;
	[sflag:s1] =	ssyncset.done $0x0  }
.Ltmp0:
0xc5: {  	s7 =	rddreg [dreg:$0x4];
	[sflag:s1] =	ssyncadd.s32 $0xFFFF8000;
	(pc) =	sbr.rel @p0 .LBB2_1-.Ltmp0, $4  }
0xc6: {  	[hbm4b:s7+s3] =	stream.linear.scatter [tilespmem:s6], [sflag:$0x2], $0x10000, $0x38;
	[tilespmem:$0x10100] =	vst v63  }
0xc7: {  	_ =	swait.ge [sflag:s5], $0x10000  }
0xc8: {  	[sflag:s5] =	ssyncset.done $0x0  }
0xc9: {  	s4 =	sadd.s32 $0xFFFFFFFF, s4;
	[sflag:s5] =	ssyncadd.s32 $0xFFFF0000  }
0xca: {  	_ =	sfence.sel $0x180000  }
0xcb: {  	[bflag:$0x0] =	sbarrier.arrive $0xFFFF  }
0xcc: {  	_ =	strace $0x90000047  }
0xcd: {  	s0 =	stileid.u32;
	[bflag:$0x2] =	sbarrier.arrive $0xFFFF  }
0xce: {  	p0 =	sne.s32 s0, $0x0;
	s0 =	rddreg [dreg:$0x2]  }
0xcf: {  	s0 =	sadd.s32 @!p0 $0x100000, s0  }
0xd0: {  	[sflag:s0] =	ssyncadd.tile.s32 @!p0 $0x1;
	_ =	shalt  }
.Lfunc_end2:
_tile_overlayer_lowered:
.L_overlay_start_2:
0xd1: {  	(tag) =	ssettag $0x2  }
0xd2: {  	s0 =	rddreg [dreg:$0x0];
	s2 =	stileid.u32  }
0xd3: {  	s1 =	rddreg [dreg:$0x1];
	p0 =	sne.s32 s2, $0x0  }
0xd4: {  	s3 =	rddreg [dreg:$0x2];
	[bflag:$0x3] =	sbarrier.arrive $0xFFFF;
	s2 =	simm.s32 @!p0 $0x1C02  }
0xd5: {  	[timem:s3], [sflag:s2] =	dma.local @!p0 [hbm:s0], s1  }
0xd6: {  	s0 =	simm.s32 @!p0 $0x2  }
0xd7: {  	_ =	swait.ge @!p0 [sflag:s0], s1  }
0xd8: {  	s1 =	ssub.s32 @!p0 $0x0, s1;
	[sflag:s0] =	ssyncset.done @!p0 $0x0  }
0xd9: {  	[sflag:s0] =	ssyncadd.s32 @!p0 s1  }
0xda: {  	[bflag:$0x3] =	sbarrier.arrive $0xFFFF  }
0xdb: {  	_ =	shalt  }

</sc_bundles>
